<compile_context>
chip_gen: v7x
topology: tpu7x:2x2x1
jax: 0.10.2.dev20260603
libtpu: 0.0.44.dev20260713+nightly
codegen_flags: <defaults>
</compile_context>

<pallas_src>
import functools

import jax
import jax.numpy as jnp
from jax import lax
from jax.experimental import pallas as pl
from jax.experimental.pallas import tpu as pltpu
from jax.experimental.pallas import tpu_sc as plsc

BATCH = 16384
DIM = 128
NROWS = 13
NC = 2
NS = 16
NW = NC * NS
B_PER_W = BATCH // NW
CHUNK = 128
NCHUNK = B_PER_W // CHUNK


def _embed_body(table_hbm, month_hbm, out_hbm, idx_v, rows_v, *sems):
    gsem = sems[:NCHUNK]
    ssem = sems[NCHUNK:]
    wid = lax.axis_index("s") * NC + lax.axis_index("c")
    base = wid * B_PER_W
    pltpu.sync_copy(month_hbm.at[wid], idx_v)
    gops = [
        pltpu.async_copy(
            table_hbm.at[idx_v.at[j]], rows_v.at[pl.ds(j * CHUNK, CHUNK)],
            gsem[j],
        )
        for j in range(NCHUNK)
    ]
    half = B_PER_W // 2
    gops[0].wait()
    gops[1].wait()
    s0 = pltpu.async_copy(
        rows_v.at[pl.ds(0, half)], out_hbm.at[pl.ds(base, half)], ssem[0]
    )
    gops[2].wait()
    gops[3].wait()
    s1 = pltpu.async_copy(
        rows_v.at[pl.ds(half, half)], out_hbm.at[pl.ds(base + half, half)],
        ssem[1],
    )
    s0.wait()
    s1.wait()


_embed = functools.partial(
    pl.kernel,
    out_type=jax.ShapeDtypeStruct((BATCH, DIM), jnp.float32),
    scratch_types=(
        [pltpu.VMEM((NCHUNK, CHUNK), jnp.int32)]
        + [pltpu.VMEM((B_PER_W, DIM), jnp.float32)]
        + [pltpu.SemaphoreType.DMA for _ in range(NCHUNK + 2)]
    ),
    mesh=plsc.VectorSubcoreMesh(core_axis_name="c", subcore_axis_name="s"),
)(_embed_body)


def kernel(month, table):
    m = month
    if m.ndim == 2:
        m = jnp.squeeze(m, axis=-1)
    idx = m.astype(jnp.int32).reshape(NW, NCHUNK, CHUNK)
    w = jnp.arange(NW, dtype=jnp.int32)
    i = jnp.arange(CHUNK, dtype=jnp.int32)
    rep = w[:, None, None] * 16 + (i % 16)[None, None, :]
    idx = idx + rep * NROWS
    table_rep = jnp.tile(table.astype(jnp.float32), (NW * 16, 1))
    return _embed(table_rep, idx)

# --- scband reference (transcript-rebuilt; emitter-appended) ---
"""Pipeline reference for scband-wpu-qmonth-embedder-34892314312984 (READ-ONLY COPY).

The authoritative reference and input builder live on the scoring server;
editing this copy changes nothing except your own understanding.
"""

import jax, jax.numpy as jnp
import numpy as np

BATCH = 16384
NUM_EMBEDDING = 12
DIM_EMBEDDING = 128


def setup_inputs(seed: int = 0) -> dict:
    key = jax.random.key(seed)
    k1, k2 = jax.random.split(key)
    # month condition ids in [0, 12)
    month = jax.random.randint(k1, (BATCH,), 0, NUM_EMBEDDING, dtype=jnp.int64 if jax.config.jax_enable_x64 else jnp.int32)
    # IntegerEmbedder table: num_embedding + 1 extra row for the CFG null/drop token
    table = jax.random.normal(k2, (NUM_EMBEDDING + 1, DIM_EMBEDDING), dtype=jnp.float32) * 0.02
    return {"month": month, "table": table}


def reference(month, table):
    # Faithful forward at inference time (train=None -> eval, force_drop_ids=None):
    # squeeze a trailing singleton dim if month is [B, 1], then embedding lookup.
    m = month
    if m.ndim == 2:
        m = jnp.squeeze(m, axis=-1)
    return jnp.take(table, m, axis=0)

if __name__ == "__main__":
    import jax
    _d = setup_inputs()
    print(jax.jit(kernel)(*tuple(_d.values())))

</pallas_src>

<mosaic_0001>
#map = affine_map<(d0, d1) -> (0, 0)>
#map1 = affine_map<(d0, d1) -> (0, 0, 0)>
module attributes {stable_mosaic.version = 14 : i64} {
  func.func @_embed_body(%arg0: i32, %arg1: i32, %arg2: memref<6656x128xf32, #tpu.memory_space<hbm>>, %arg3: memref<32x4x128xi32, #tpu.memory_space<hbm>>, %arg4: memref<16384x128xf32, #tpu.memory_space<hbm>>, %arg5: memref<4x128xi32, #tpu.memory_space<vmem>>, %arg6: memref<512x128xf32, #tpu.memory_space<vmem>>, %arg7: memref<!tpu.dma_semaphore, #tpu.memory_space<semaphore_mem>>, %arg8: memref<!tpu.dma_semaphore, #tpu.memory_space<semaphore_mem>>, %arg9: memref<!tpu.dma_semaphore, #tpu.memory_space<semaphore_mem>>, %arg10: memref<!tpu.dma_semaphore, #tpu.memory_space<semaphore_mem>>, %arg11: memref<!tpu.dma_semaphore, #tpu.memory_space<semaphore_mem>>, %arg12: memref<!tpu.dma_semaphore, #tpu.memory_space<semaphore_mem>>) attributes {dimension_semantics = [#tpu.dimension_semantics<core_parallel>, #tpu.dimension_semantics<subcore_parallel>], iteration_bounds = array<i64: 2, 16>, scalar_prefetch = 0 : i64, scratch_operands = 8 : i64, tpu.core_type = #tpu.core_type<sc_vector_subcore>, window_params = [{transform_indices = #map}, {transform_indices = #map1}, {transform_indices = #map}]} {
    %mul3A = arith.constant 2 : i32
    %mul3A_0 = arith.muli %arg1, %mul3A : i32
    %add3A = arith.addi %mul3A_0, %arg0 : i32
    %mul3A_1 = arith.constant 512 : i32
    %mul3A_2 = arith.muli %add3A, %mul3A_1 : i32
    "tpu.region"() ({
      %run_scoped3A = tpu.sem_alloc : memref<!tpu.dma_semaphore, #tpu.memory_space<semaphore_mem>>
      %dma_start3A_123 = arith.constant 0 : i32
      %dma_start3A_124 = arith.constant 0 : i32
      %dma_start3A_125 = tpu.memref_slice %arg3[%add3A, %dma_start3A_123, %dma_start3A_124] : memref<32x4x128xi32, #tpu.memory_space<hbm>> -> memref<1x4x128xi32, #tpu.memory_space<hbm>>
      %dma_start3A_126 = tpu.memref_squeeze %dma_start3A_125 : memref<1x4x128xi32, #tpu.memory_space<hbm>> -> memref<4x128xi32, #tpu.memory_space<hbm>>
      %dma_start3A_127 = arith.constant 0 : i32
      %dma_start3A_128 = arith.constant 0 : i32
      %dma_start3A_129 = tpu.memref_slice %arg3[%add3A, %dma_start3A_127, %dma_start3A_128] : memref<32x4x128xi32, #tpu.memory_space<hbm>> -> memref<1x4x128xi32, #tpu.memory_space<hbm>>
      %dma_start3A_130 = tpu.memref_squeeze %dma_start3A_129 : memref<1x4x128xi32, #tpu.memory_space<hbm>> -> memref<4x128xi32, #tpu.memory_space<hbm>>
      tpu.enqueue_dma source(%dma_start3A_130 : memref<4x128xi32, #tpu.memory_space<hbm>>) target(%arg5 : memref<4x128xi32, #tpu.memory_space<vmem>>) target_semaphore(%run_scoped3A : memref<!tpu.dma_semaphore, #tpu.memory_space<semaphore_mem>>)
      %dma_wait3A_131 = arith.constant 0 : i32
      %dma_wait3A_132 = arith.constant 0 : i32
      %dma_wait3A_133 = tpu.memref_slice %arg3[%add3A, %dma_wait3A_131, %dma_wait3A_132] : memref<32x4x128xi32, #tpu.memory_space<hbm>> -> memref<1x4x128xi32, #tpu.memory_space<hbm>>
      %dma_wait3A_134 = tpu.memref_squeeze %dma_wait3A_133 : memref<1x4x128xi32, #tpu.memory_space<hbm>> -> memref<4x128xi32, #tpu.memory_space<hbm>>
      %dma_wait3A_135 = arith.constant 0 : i32
      %dma_wait3A_136 = arith.constant 0 : i32
      %dma_wait3A_137 = tpu.memref_slice %arg3[%add3A, %dma_wait3A_135, %dma_wait3A_136] : memref<32x4x128xi32, #tpu.memory_space<hbm>> -> memref<1x4x128xi32, #tpu.memory_space<hbm>>
      %dma_wait3A_138 = tpu.memref_squeeze %dma_wait3A_137 : memref<1x4x128xi32, #tpu.memory_space<hbm>> -> memref<4x128xi32, #tpu.memory_space<hbm>>
      tpu.wait_dma2 semaphore(%run_scoped3A : memref<!tpu.dma_semaphore, #tpu.memory_space<semaphore_mem>>) src(%dma_wait3A_138 : memref<4x128xi32, #tpu.memory_space<hbm>>) dst(%arg5 : memref<4x128xi32, #tpu.memory_space<vmem>>)
      tpu.yield
    }) : () -> ()
    %dma_start3A = arith.constant 0 : i32
    %dma_start3A_3 = arith.constant 0 : i32
    %dma_start3A_4 = arith.constant 0 : i32
    %dma_start3A_5 = tpu.memref_slice %arg6[%dma_start3A_3, %dma_start3A_4] : memref<512x128xf32, #tpu.memory_space<vmem>> -> memref<128x128xf32, #tpu.memory_space<vmem>>
    %dma_start3A_6 = arith.constant 0 : i32
    %dma_start3A_7 = tpu.memref_slice %arg5[%dma_start3A, %dma_start3A_6] : memref<4x128xi32, #tpu.memory_space<vmem>> -> memref<1x128xi32, #tpu.memory_space<vmem>>
    %dma_start3A_8 = tpu.memref_squeeze %dma_start3A_7 : memref<1x128xi32, #tpu.memory_space<vmem>> -> memref<128xi32, #tpu.memory_space<vmem>>
    %dma_start3A_9 = arith.constant 0 : i32
    %dma_start3A_10 = arith.constant 0 : i32
    %dma_start3A_11 = tpu.memref_slice %arg2[%dma_start3A_9, %dma_start3A_10] : memref<6656x128xf32, #tpu.memory_space<hbm>> -> memref<6656x128xf32, #tpu.memory_space<hbm>>
    tpu.enqueue_indirect_dma source(%dma_start3A_11 : memref<6656x128xf32, #tpu.memory_space<hbm>>) target(%dma_start3A_5 : memref<128x128xf32, #tpu.memory_space<vmem>>) offsets(%dma_start3A_8 : memref<128xi32, #tpu.memory_space<vmem>>) semaphore(%arg7 : memref<!tpu.dma_semaphore, #tpu.memory_space<semaphore_mem>>)
    %dma_start3A_12 = arith.constant 1 : i32
    %dma_start3A_13 = arith.constant 128 : i32
    %dma_start3A_14 = arith.constant 0 : i32
    %dma_start3A_15 = tpu.memref_slice %arg6[%dma_start3A_13, %dma_start3A_14] : memref<512x128xf32, #tpu.memory_space<vmem>> -> memref<128x128xf32, #tpu.memory_space<vmem>>
    %dma_start3A_16 = arith.constant 0 : i32
    %dma_start3A_17 = tpu.memref_slice %arg5[%dma_start3A_12, %dma_start3A_16] : memref<4x128xi32, #tpu.memory_space<vmem>> -> memref<1x128xi32, #tpu.memory_space<vmem>>
    %dma_start3A_18 = tpu.memref_squeeze %dma_start3A_17 : memref<1x128xi32, #tpu.memory_space<vmem>> -> memref<128xi32, #tpu.memory_space<vmem>>
    %dma_start3A_19 = arith.constant 0 : i32
    %dma_start3A_20 = arith.constant 0 : i32
    %dma_start3A_21 = tpu.memref_slice %arg2[%dma_start3A_19, %dma_start3A_20] : memref<6656x128xf32, #tpu.memory_space<hbm>> -> memref<6656x128xf32, #tpu.memory_space<hbm>>
    tpu.enqueue_indirect_dma source(%dma_start3A_21 : memref<6656x128xf32, #tpu.memory_space<hbm>>) target(%dma_start3A_15 : memref<128x128xf32, #tpu.memory_space<vmem>>) offsets(%dma_start3A_18 : memref<128xi32, #tpu.memory_space<vmem>>) semaphore(%arg8 : memref<!tpu.dma_semaphore, #tpu.memory_space<semaphore_mem>>)
    %dma_start3A_22 = arith.constant 2 : i32
    %dma_start3A_23 = arith.constant 256 : i32
    %dma_start3A_24 = arith.constant 0 : i32
    %dma_start3A_25 = tpu.memref_slice %arg6[%dma_start3A_23, %dma_start3A_24] : memref<512x128xf32, #tpu.memory_space<vmem>> -> memref<128x128xf32, #tpu.memory_space<vmem>>
    %dma_start3A_26 = arith.constant 0 : i32
    %dma_start3A_27 = tpu.memref_slice %arg5[%dma_start3A_22, %dma_start3A_26] : memref<4x128xi32, #tpu.memory_space<vmem>> -> memref<1x128xi32, #tpu.memory_space<vmem>>
    %dma_start3A_28 = tpu.memref_squeeze %dma_start3A_27 : memref<1x128xi32, #tpu.memory_space<vmem>> -> memref<128xi32, #tpu.memory_space<vmem>>
    %dma_start3A_29 = arith.constant 0 : i32
    %dma_start3A_30 = arith.constant 0 : i32
    %dma_start3A_31 = tpu.memref_slice %arg2[%dma_start3A_29, %dma_start3A_30] : memref<6656x128xf32, #tpu.memory_space<hbm>> -> memref<6656x128xf32, #tpu.memory_space<hbm>>
    tpu.enqueue_indirect_dma source(%dma_start3A_31 : memref<6656x128xf32, #tpu.memory_space<hbm>>) target(%dma_start3A_25 : memref<128x128xf32, #tpu.memory_space<vmem>>) offsets(%dma_start3A_28 : memref<128xi32, #tpu.memory_space<vmem>>) semaphore(%arg9 : memref<!tpu.dma_semaphore, #tpu.memory_space<semaphore_mem>>)
    %dma_start3A_32 = arith.constant 3 : i32
    %dma_start3A_33 = arith.constant 384 : i32
    %dma_start3A_34 = arith.constant 0 : i32
    %dma_start3A_35 = tpu.memref_slice %arg6[%dma_start3A_33, %dma_start3A_34] : memref<512x128xf32, #tpu.memory_space<vmem>> -> memref<128x128xf32, #tpu.memory_space<vmem>>
    %dma_start3A_36 = arith.constant 0 : i32
    %dma_start3A_37 = tpu.memref_slice %arg5[%dma_start3A_32, %dma_start3A_36] : memref<4x128xi32, #tpu.memory_space<vmem>> -> memref<1x128xi32, #tpu.memory_space<vmem>>
    %dma_start3A_38 = tpu.memref_squeeze %dma_start3A_37 : memref<1x128xi32, #tpu.memory_space<vmem>> -> memref<128xi32, #tpu.memory_space<vmem>>
    %dma_start3A_39 = arith.constant 0 : i32
    %dma_start3A_40 = arith.constant 0 : i32
    %dma_start3A_41 = tpu.memref_slice %arg2[%dma_start3A_39, %dma_start3A_40] : memref<6656x128xf32, #tpu.memory_space<hbm>> -> memref<6656x128xf32, #tpu.memory_space<hbm>>
    tpu.enqueue_indirect_dma source(%dma_start3A_41 : memref<6656x128xf32, #tpu.memory_space<hbm>>) target(%dma_start3A_35 : memref<128x128xf32, #tpu.memory_space<vmem>>) offsets(%dma_start3A_38 : memref<128xi32, #tpu.memory_space<vmem>>) semaphore(%arg10 : memref<!tpu.dma_semaphore, #tpu.memory_space<semaphore_mem>>)
    %dma_wait3A = arith.constant 0 : i32
    %dma_wait3A_42 = arith.constant 0 : i32
    %dma_wait3A_43 = arith.constant 0 : i32
    %dma_wait3A_44 = tpu.memref_slice %arg6[%dma_wait3A_42, %dma_wait3A_43] : memref<512x128xf32, #tpu.memory_space<vmem>> -> memref<128x128xf32, #tpu.memory_space<vmem>>
    %dma_wait3A_45 = arith.constant 0 : i32
    %dma_wait3A_46 = tpu.memref_slice %arg5[%dma_wait3A, %dma_wait3A_45] : memref<4x128xi32, #tpu.memory_space<vmem>> -> memref<1x128xi32, #tpu.memory_space<vmem>>
    %dma_wait3A_47 = tpu.memref_squeeze %dma_wait3A_46 : memref<1x128xi32, #tpu.memory_space<vmem>> -> memref<128xi32, #tpu.memory_space<vmem>>
    %dma_wait3A_48 = arith.constant 0 : i32
    %dma_wait3A_49 = arith.constant 0 : i32
    %dma_wait3A_50 = tpu.memref_slice %arg2[%dma_wait3A_48, %dma_wait3A_49] : memref<6656x128xf32, #tpu.memory_space<hbm>> -> memref<6656x128xf32, #tpu.memory_space<hbm>>
    tpu.wait_indirect_dma semaphore(%arg7 : memref<!tpu.dma_semaphore, #tpu.memory_space<semaphore_mem>>) src(%dma_wait3A_50 : memref<6656x128xf32, #tpu.memory_space<hbm>>) dst(%dma_wait3A_44 : memref<128x128xf32, #tpu.memory_space<vmem>>)
    %dma_wait3A_51 = arith.constant 1 : i32
    %dma_wait3A_52 = arith.constant 128 : i32
    %dma_wait3A_53 = arith.constant 0 : i32
    %dma_wait3A_54 = tpu.memref_slice %arg6[%dma_wait3A_52, %dma_wait3A_53] : memref<512x128xf32, #tpu.memory_space<vmem>> -> memref<128x128xf32, #tpu.memory_space<vmem>>
    %dma_wait3A_55 = arith.constant 0 : i32
    %dma_wait3A_56 = tpu.memref_slice %arg5[%dma_wait3A_51, %dma_wait3A_55] : memref<4x128xi32, #tpu.memory_space<vmem>> -> memref<1x128xi32, #tpu.memory_space<vmem>>
    %dma_wait3A_57 = tpu.memref_squeeze %dma_wait3A_56 : memref<1x128xi32, #tpu.memory_space<vmem>> -> memref<128xi32, #tpu.memory_space<vmem>>
    %dma_wait3A_58 = arith.constant 0 : i32
    %dma_wait3A_59 = arith.constant 0 : i32
    %dma_wait3A_60 = tpu.memref_slice %arg2[%dma_wait3A_58, %dma_wait3A_59] : memref<6656x128xf32, #tpu.memory_space<hbm>> -> memref<6656x128xf32, #tpu.memory_space<hbm>>
    tpu.wait_indirect_dma semaphore(%arg8 : memref<!tpu.dma_semaphore, #tpu.memory_space<semaphore_mem>>) src(%dma_wait3A_60 : memref<6656x128xf32, #tpu.memory_space<hbm>>) dst(%dma_wait3A_54 : memref<128x128xf32, #tpu.memory_space<vmem>>)
    %dma_start3A_61 = arith.constant 0 : i32
    %dma_start3A_62 = arith.constant 0 : i32
    %dma_start3A_63 = tpu.memref_slice %arg6[%dma_start3A_61, %dma_start3A_62] : memref<512x128xf32, #tpu.memory_space<vmem>> -> memref<256x128xf32, #tpu.memory_space<vmem>>
    %dma_start3A_64 = arith.constant 0 : i32
    %dma_start3A_65 = tpu.memref_slice %arg4[%mul3A_2, %dma_start3A_64] : memref<16384x128xf32, #tpu.memory_space<hbm>> -> memref<256x128xf32, #tpu.memory_space<hbm>>
    %dma_start3A_66 = arith.constant 0 : i32
    %dma_start3A_67 = tpu.memref_slice %arg4[%mul3A_2, %dma_start3A_66] : memref<16384x128xf32, #tpu.memory_space<hbm>> -> memref<256x128xf32, #tpu.memory_space<hbm>>
    %dma_start3A_68 = arith.constant 0 : i32
    %dma_start3A_69 = arith.constant 0 : i32
    %dma_start3A_70 = tpu.memref_slice %arg6[%dma_start3A_68, %dma_start3A_69] : memref<512x128xf32, #tpu.memory_space<vmem>> -> memref<256x128xf32, #tpu.memory_space<vmem>>
    tpu.enqueue_dma source(%dma_start3A_70 : memref<256x128xf32, #tpu.memory_space<vmem>>) target(%dma_start3A_67 : memref<256x128xf32, #tpu.memory_space<hbm>>) target_semaphore(%arg11 : memref<!tpu.dma_semaphore, #tpu.memory_space<semaphore_mem>>)
    %dma_wait3A_71 = arith.constant 2 : i32
    %dma_wait3A_72 = arith.constant 256 : i32
    %dma_wait3A_73 = arith.constant 0 : i32
    %dma_wait3A_74 = tpu.memref_slice %arg6[%dma_wait3A_72, %dma_wait3A_73] : memref<512x128xf32, #tpu.memory_space<vmem>> -> memref<128x128xf32, #tpu.memory_space<vmem>>
    %dma_wait3A_75 = arith.constant 0 : i32
    %dma_wait3A_76 = tpu.memref_slice %arg5[%dma_wait3A_71, %dma_wait3A_75] : memref<4x128xi32, #tpu.memory_space<vmem>> -> memref<1x128xi32, #tpu.memory_space<vmem>>
    %dma_wait3A_77 = tpu.memref_squeeze %dma_wait3A_76 : memref<1x128xi32, #tpu.memory_space<vmem>> -> memref<128xi32, #tpu.memory_space<vmem>>
    %dma_wait3A_78 = arith.constant 0 : i32
    %dma_wait3A_79 = arith.constant 0 : i32
    %dma_wait3A_80 = tpu.memref_slice %arg2[%dma_wait3A_78, %dma_wait3A_79] : memref<6656x128xf32, #tpu.memory_space<hbm>> -> memref<6656x128xf32, #tpu.memory_space<hbm>>
    tpu.wait_indirect_dma semaphore(%arg9 : memref<!tpu.dma_semaphore, #tpu.memory_space<semaphore_mem>>) src(%dma_wait3A_80 : memref<6656x128xf32, #tpu.memory_space<hbm>>) dst(%dma_wait3A_74 : memref<128x128xf32, #tpu.memory_space<vmem>>)
    %dma_wait3A_81 = arith.constant 3 : i32
    %dma_wait3A_82 = arith.constant 384 : i32
    %dma_wait3A_83 = arith.constant 0 : i32
    %dma_wait3A_84 = tpu.memref_slice %arg6[%dma_wait3A_82, %dma_wait3A_83] : memref<512x128xf32, #tpu.memory_space<vmem>> -> memref<128x128xf32, #tpu.memory_space<vmem>>
    %dma_wait3A_85 = arith.constant 0 : i32
    %dma_wait3A_86 = tpu.memref_slice %arg5[%dma_wait3A_81, %dma_wait3A_85] : memref<4x128xi32, #tpu.memory_space<vmem>> -> memref<1x128xi32, #tpu.memory_space<vmem>>
    %dma_wait3A_87 = tpu.memref_squeeze %dma_wait3A_86 : memref<1x128xi32, #tpu.memory_space<vmem>> -> memref<128xi32, #tpu.memory_space<vmem>>
    %dma_wait3A_88 = arith.constant 0 : i32
    %dma_wait3A_89 = arith.constant 0 : i32
    %dma_wait3A_90 = tpu.memref_slice %arg2[%dma_wait3A_88, %dma_wait3A_89] : memref<6656x128xf32, #tpu.memory_space<hbm>> -> memref<6656x128xf32, #tpu.memory_space<hbm>>
    tpu.wait_indirect_dma semaphore(%arg10 : memref<!tpu.dma_semaphore, #tpu.memory_space<semaphore_mem>>) src(%dma_wait3A_90 : memref<6656x128xf32, #tpu.memory_space<hbm>>) dst(%dma_wait3A_84 : memref<128x128xf32, #tpu.memory_space<vmem>>)
    %add3A_91 = arith.constant 256 : i32
    %add3A_92 = arith.addi %mul3A_2, %add3A_91 : i32
    %dma_start3A_93 = arith.constant 256 : i32
    %dma_start3A_94 = arith.constant 0 : i32
    %dma_start3A_95 = tpu.memref_slice %arg6[%dma_start3A_93, %dma_start3A_94] : memref<512x128xf32, #tpu.memory_space<vmem>> -> memref<256x128xf32, #tpu.memory_space<vmem>>
    %dma_start3A_96 = arith.constant 0 : i32
    %dma_start3A_97 = tpu.memref_slice %arg4[%add3A_92, %dma_start3A_96] : memref<16384x128xf32, #tpu.memory_space<hbm>> -> memref<256x128xf32, #tpu.memory_space<hbm>>
    %dma_start3A_98 = arith.constant 0 : i32
    %dma_start3A_99 = tpu.memref_slice %arg4[%add3A_92, %dma_start3A_98] : memref<16384x128xf32, #tpu.memory_space<hbm>> -> memref<256x128xf32, #tpu.memory_space<hbm>>
    %dma_start3A_100 = arith.constant 256 : i32
    %dma_start3A_101 = arith.constant 0 : i32
    %dma_start3A_102 = tpu.memref_slice %arg6[%dma_start3A_100, %dma_start3A_101] : memref<512x128xf32, #tpu.memory_space<vmem>> -> memref<256x128xf32, #tpu.memory_space<vmem>>
    tpu.enqueue_dma source(%dma_start3A_102 : memref<256x128xf32, #tpu.memory_space<vmem>>) target(%dma_start3A_99 : memref<256x128xf32, #tpu.memory_space<hbm>>) target_semaphore(%arg12 : memref<!tpu.dma_semaphore, #tpu.memory_space<semaphore_mem>>)
    %dma_wait3A_103 = arith.constant 0 : i32
    %dma_wait3A_104 = arith.constant 0 : i32
    %dma_wait3A_105 = tpu.memref_slice %arg6[%dma_wait3A_103, %dma_wait3A_104] : memref<512x128xf32, #tpu.memory_space<vmem>> -> memref<256x128xf32, #tpu.memory_space<vmem>>
    %dma_wait3A_106 = arith.constant 0 : i32
    %dma_wait3A_107 = tpu.memref_slice %arg4[%mul3A_2, %dma_wait3A_106] : memref<16384x128xf32, #tpu.memory_space<hbm>> -> memref<256x128xf32, #tpu.memory_space<hbm>>
    %dma_wait3A_108 = arith.constant 0 : i32
    %dma_wait3A_109 = tpu.memref_slice %arg4[%mul3A_2, %dma_wait3A_108] : memref<16384x128xf32, #tpu.memory_space<hbm>> -> memref<256x128xf32, #tpu.memory_space<hbm>>
    %dma_wait3A_110 = arith.constant 0 : i32
    %dma_wait3A_111 = arith.constant 0 : i32
    %dma_wait3A_112 = tpu.memref_slice %arg6[%dma_wait3A_110, %dma_wait3A_111] : memref<512x128xf32, #tpu.memory_space<vmem>> -> memref<256x128xf32, #tpu.memory_space<vmem>>
    tpu.wait_dma2 semaphore(%arg11 : memref<!tpu.dma_semaphore, #tpu.memory_space<semaphore_mem>>) src(%dma_wait3A_112 : memref<256x128xf32, #tpu.memory_space<vmem>>) dst(%dma_wait3A_109 : memref<256x128xf32, #tpu.memory_space<hbm>>)
    %dma_wait3A_113 = arith.constant 256 : i32
    %dma_wait3A_114 = arith.constant 0 : i32
    %dma_wait3A_115 = tpu.memref_slice %arg6[%dma_wait3A_113, %dma_wait3A_114] : memref<512x128xf32, #tpu.memory_space<vmem>> -> memref<256x128xf32, #tpu.memory_space<vmem>>
    %dma_wait3A_116 = arith.constant 0 : i32
    %dma_wait3A_117 = tpu.memref_slice %arg4[%add3A_92, %dma_wait3A_116] : memref<16384x128xf32, #tpu.memory_space<hbm>> -> memref<256x128xf32, #tpu.memory_space<hbm>>
    %dma_wait3A_118 = arith.constant 0 : i32
    %dma_wait3A_119 = tpu.memref_slice %arg4[%add3A_92, %dma_wait3A_118] : memref<16384x128xf32, #tpu.memory_space<hbm>> -> memref<256x128xf32, #tpu.memory_space<hbm>>
    %dma_wait3A_120 = arith.constant 256 : i32
    %dma_wait3A_121 = arith.constant 0 : i32
    %dma_wait3A_122 = tpu.memref_slice %arg6[%dma_wait3A_120, %dma_wait3A_121] : memref<512x128xf32, #tpu.memory_space<vmem>> -> memref<256x128xf32, #tpu.memory_space<vmem>>
    tpu.wait_dma2 semaphore(%arg12 : memref<!tpu.dma_semaphore, #tpu.memory_space<semaphore_mem>>) src(%dma_wait3A_122 : memref<256x128xf32, #tpu.memory_space<vmem>>) dst(%dma_wait3A_119 : memref<256x128xf32, #tpu.memory_space<hbm>>)
    return
  }
}

</mosaic_0001>

<sc_bundles>
// kernel: kernel.3.cloned.1.call-start
scs
__scs_entry_jumppad:
0x0: {  	(pc) =	sbr.rel $0x88, $3  }
0x1: {  	(tag) =	ssettag $0x0;
	lr =	simm.s32 $0x1  }
0x2: {  	[smem:$0x3F9F] =	sst lr;
	_ =	strace $0xD0000000  }
0x3: {  	_ = 	snop  }
0x4: {  	_ = 	snop  }
0x5: {  	_ = 	snop  }
0x6: {  	_ = 	snop  }
0x7: {  	_ = 	snop  }
__scs_overlays_trampoline_lowered:
0x8: {  	[smem:$0x3FAE] =	sst s0  }
0x9: {  	[smem:$0x3FAF] =	sst s1  }
0xa: {  	[smem:$0x3FB0] =	sst s2  }
0xb: {  	[smem:$0x3FB1] =	sst s3  }
0xc: {  	[smem:$0x3FB2] =	sst s4  }
0xd: {  	[smem:$0x3FB3] =	sst s5  }
0xe: {  	[smem:$0x3FB4] =	sst s6  }
0xf: {  	[smem:$0x3FB5] =	sst s7  }
0x10: {  	[smem:$0x3FB6] =	sst s8  }
0x11: {  	[smem:$0x3FB7] =	sst s9;
	s0 =	simm.s32 @!p0 $0x0  }
0x12: {  	s1 =	sld [smem:$0x3F9D];
	s0 =	simm.s32 @p0 $0x1  }
0x13: {  	[smem:$0x3FB8] =	sst s0;
	s0 =	simm.s32 @!p1 $0x0  }
0x14: {  	s2 =	sld [smem:$0x3F9C];
	s0 =	simm.s32 @p1 $0x1  }
0x15: {  	[smem:$0x3FB9] =	sst s0;
	s0 =	simm.s32 @!p2 $0x0  }
0x16: {  	s3 =	sld [smem:$0x3FDB];
	s0 =	simm.s32 @p2 $0x1  }
0x17: {  	s4 =	simm.s32 $0x1BF5;
	[smem:$0x3FBB] =	sst s0  }
0x18: {  	s0 =	sld [smem:$0x3F9E];
	_ =	swait.ge [sflag:s4], $0x0  }
0x19: {  	s7 =	sld [smem:$0x3F9F]  }
0x1a: {  	s8 =	sadd.s32 $0xFFFFE003, lr  }
0x1b: {  	s9 =	sadd.s32 $0xFFFFFEF7, lr;
	s5 =	simm.s32 $0xFFFFFFFF;
	p2 =	slt.u32 s8, $0xFFFFF086  }
0x1c: {  	p1 =	slt.u32 s9, $0xF7A;
	s5 =	simm.s32 @!p2 $0x0  }
0x1d: {  	s5 =	simm.s32 @p1 $0x1;
	p0 =	seq.s32 s7, s2  }
0x1e: {  	s7 =	smul.u32 @!p0 $0xF7A, s2;
	p2 =	seq.s32 @!p0 s5, $0x0  }
0x1f: {  	s9 =	smul.u32 $0xF7A, s1;
	s8 =	simm.s32 @!p0 $0x1BF5;
	p2 =	por !p2, p0  }
0x20: {  	[sflag:s8] =	ssyncset.s32 @!p0 $0xFFFFF086;
	s6 =	sadd.s32 @!p0 s3, s7;
	s7 =	simm.s32 @!p0 $0x108  }
0x21: {  	s3 =	sadd.s32 s3, s9;
	s6 =	sadd.s32 @!p0 $0x88, s6;
	s7 =	simm.s32 @p2 $0x1082  }
0x22: {  	[simem:s7], [sflag:s8] =	dma.local @!p0 [hbm:s6], $0xF7A  }
0x23: {  	s9 =	sor.u32 $0xD0000000, s2;
	s6 =	simm.s32 $0x108;
	_ =	swait.ge @!p0 [sflag:s8], $0x0  }
0x24: {  	s3 =	sadd.s32 $0x88, s3;
	s6 =	simm.s32 @!p1 $0x1082;
	[sflag:s4] =	ssyncset.s32 $0xFFFFF086  }
0x25: {  	[simem:s6], [sflag:s4] =	dma.local [hbm:s3], $0xF7A  }
0x26: {  	[smem:$0x3F9F] =	sst s1;
	(tag) =	ssettag s2;
	_ =	strace s9  }
0x27: {  	s1 =	sld [smem:$0x3FAF]  }
0x28: {  	s2 =	sld [smem:$0x3FB0]  }
0x29: {  	s4 =	sld [smem:$0x3FB2]  }
0x2a: {  	p0 =	seq.s32 s5, $0x0;
	s5 =	sld [smem:$0x3FB3]  }
0x2b: {  	s6 =	sld [smem:$0x3FB4]  }
0x2c: {  	s7 =	sld [smem:$0x3FB5]  }
0x2d: {  	s3 =	simm.s32 $0x108;
	s8 =	sld [smem:$0x3FB6]  }
0x2e: {  	s3 =	simm.s32 @!p0 $0x1082;
	s9 =	sld [smem:$0x3FB7]  }
0x2f: {  	lr =	sadd.s32 s0, s3;
	s0 =	sld [smem:$0x3FAE]  }
0x30: {  	s3 =	sld [smem:$0x3FB1]  }
0x31: {  	[smem:$0x3FBA] =	sst s10  }
0x32: {  	s10 =	sld [smem:$0x3FB8];
	_ =	sdelay $0x3  }
0x33: {  	p0 =	seq.s32 s10, $0x1;
	s10 =	sld [smem:$0x3FBA];
	_ =	sdelay $0x3  }
0x34: {  	[smem:$0x3FBA] =	sst s10  }
0x35: {  	s10 =	sld [smem:$0x3FB9];
	_ =	sdelay $0x3  }
0x36: {  	p1 =	seq.s32 s10, $0x1;
	s10 =	sld [smem:$0x3FBA];
	_ =	sdelay $0x3  }
0x37: {  	[smem:$0x3FBA] =	sst s10  }
0x38: {  	s10 =	sld [smem:$0x3FBB]  }
0x39: {  	_ = 	snop;
	(pc) =	sbr.ind lr, $3  }
0x3a: {  	_ = 	snop  }
0x3b: {  	_ = 	snop  }
0x3c: {  	p2 =	seq.s32 s10, $0x1;
	s10 =	sld [smem:$0x3FBA]  }
0x3d: {  	_ =	shalt  }
0x3e: {  	_ =	shalt  }
0x3f: {  	_ =	shalt  }
0x40: {  	_ =	shalt  }
0x41: {  	_ =	shalt  }
0x42: {  	_ =	shalt  }
0x43: {  	_ =	shalt  }
0x44: {  	_ =	shalt  }
0x45: {  	_ =	shalt  }
0x46: {  	_ =	shalt  }
0x47: {  	_ =	shalt  }
0x48: {  	_ =	shalt  }
0x49: {  	_ =	shalt  }
0x4a: {  	_ =	shalt  }
0x4b: {  	_ =	shalt  }
0x4c: {  	_ =	shalt  }
0x4d: {  	_ =	shalt  }
0x4e: {  	_ =	shalt  }
0x4f: {  	_ =	shalt  }
0x50: {  	_ =	shalt  }
0x51: {  	_ =	shalt  }
0x52: {  	_ =	shalt  }
0x53: {  	_ =	shalt  }
0x54: {  	_ =	shalt  }
0x55: {  	_ =	shalt  }
0x56: {  	_ =	shalt  }
0x57: {  	_ =	shalt  }
0x58: {  	_ =	shalt  }
0x59: {  	_ =	shalt  }
0x5a: {  	_ =	shalt  }
0x5b: {  	_ =	shalt  }
0x5c: {  	_ =	shalt  }
0x5d: {  	_ =	shalt  }
0x5e: {  	_ =	shalt  }
0x5f: {  	_ =	shalt  }
0x60: {  	_ =	shalt  }
0x61: {  	_ =	shalt  }
0x62: {  	_ =	shalt  }
0x63: {  	_ =	shalt  }
0x64: {  	_ =	shalt  }
0x65: {  	_ =	shalt  }
0x66: {  	_ =	shalt  }
0x67: {  	_ =	shalt  }
0x68: {  	_ =	shalt  }
0x69: {  	_ =	shalt  }
0x6a: {  	_ =	shalt  }
0x6b: {  	_ =	shalt  }
0x6c: {  	_ =	shalt  }
0x6d: {  	_ =	shalt  }
0x6e: {  	_ =	shalt  }
0x6f: {  	_ =	shalt  }
0x70: {  	_ =	shalt  }
0x71: {  	_ =	shalt  }
0x72: {  	_ =	shalt  }
0x73: {  	_ =	shalt  }
0x74: {  	_ =	shalt  }
0x75: {  	_ =	shalt  }
0x76: {  	_ =	shalt  }
0x77: {  	_ =	shalt  }
0x78: {  	_ =	shalt  }
0x79: {  	_ =	shalt  }
0x7a: {  	_ =	shalt  }
0x7b: {  	_ =	shalt  }
0x7c: {  	_ =	shalt  }
0x7d: {  	_ =	shalt  }
0x7e: {  	_ =	shalt  }
0x7f: {  	_ =	shalt  }
0x80: {  	_ =	shalt  }
0x81: {  	_ =	shalt  }
0x82: {  	_ =	shalt  }
0x83: {  	_ =	shalt  }
0x84: {  	_ =	shalt  }
0x85: {  	_ =	shalt  }
0x86: {  	_ =	shalt  }
0x87: {  	_ =	shalt  }
.Lfunc_end0:
.L_simem_size_0:
called_computation_lowered:
.L_overlay_start_0:
0x88: {  	s2 =	sld [smem:$0x3FD9]  }
0x89: {  	s3 =	sld [smem:$0x3FFE];
	_ =	sdelay $0x1  }
0x8a: {  	s1 =	srdreg.scid  }
0x8b: {  	s0 =	sand.u32 $0x1, s1  }
0x8c: {  	s17 =	sshll.u32 s0, $0xA;
	s2 =	sadd.s32 s3, s2  }
0x8d: {  	s2 =	sadd.s32 s2, s17  }
0x8e: {  	[smem:$0x3FC6] =	sst s2  }
0x8f: {  	_ = 	snop  }
0x90: {  	s2 =	sld [smem:$0x3FD0];
	(tm) =	ssettm $0x1  }
0x91: {  	s18 =	sld [smem:$0x3FFB];
	_ =	sdelay $0x3  }
0x92: {  	_ =	strace s18  }
0x93: {  	s3 =	sld [smem:$0x3FFC];
	_ =	sdelay $0x3  }
0x94: {  	_ =	strace s3  }
0x95: {  	s3 =	sld [smem:$0x3FFD];
	_ =	sdelay $0x3  }
0x96: {  	_ =	strace s3  }
0x97: {  	_ =	strace $0x8FFFFFFF  }
0x98: {  	s19 =	sld [smem:$0x3FDB];
	_ =	sdelay $0x1  }
0x99: {  	s4 =	simm.s32 $_scs_section_size  }
0x9a: {  	s5 =	simm.s32 $_size__tile_overlayer_lowered;
	s6 =	simm.s32 $_tile_overlayer_lowered  }
0x9b: {  	s22 =	simm.s32 $0x1BFF;
	s21 =	sshll.u32 s6, $0x1;
	s3 =	sadd.s32 s4, s19  }
0x9c: {  	s7 =	simm.s32 $0x0;
	s20 =	sshll.u32 s5, $0x1;
	s5 =	sadd.s32 s21, s3  }
0x9d: {  	[timem:s7], [sflag:s22] =	dma.local [hbm:s5], s20  }
0x9e: {  	_ =	swait.ge [sflag:s22], s20  }
0x9f: {  	s4 =	ssub.s32 $0x0, s20;
	[sflag:s22] =	ssyncset.done $0x0  }
0xa0: {  	[sflag:s22] =	ssyncadd.s32 s4;
	_ =	sdelay $0x1  }
0xa1: {  	s23 =	simm.s32 $0x1B8B  }
0xa2: {  	_ =	swait.ge [sflag:s23], $0x1  }
0xa3: {  	[sflag:s23] =	ssyncset.done $0x0  }
0xa4: {  	s25 =	simm.s32 $0x1B8E;
	s24 =	sld [smem:$0x3FFE];
	[sflag:s23] =	ssyncadd.s32 $0xFFFFFFFF  }
0xa5: {  	s26 =	simm.s32 $execute0_lowered;
	[smem:$0x3FD2] =	sst s25  }
0xa6: {  	s5 =	sshll.u32 s26, $0x1;
	_ =	strace $0x80000046;
	[dreg:$0x1] =	wrdreg $0xFFFFFFFF  }
0xa7: {  	s28 =	simm.s32 $_size_execute0_lowered;
	s3 =	sadd.s32 s3, s5;
	[dreg:$0x0] =	wrdreg $0x0  }
0xa8: {  	s5 =	sshll.u32 s28, $0x1;
	[dreg:$0x2] =	wrdreg s3  }
0xa9: {  	[dreg:$0x3] =	wrdreg s5  }
0xaa: {  	[dreg:$0x4] =	wrdreg $0xC0  }
0xab: {  	_ =	task [dreg:s7], $0x5FFFF  }
0xac: {  	[dreg:$0x1] =	wrdreg $0xFFFFFFFF  }
0xad: {  	[dreg:$0x0] =	wrdreg $0x60  }
0xae: {  	[dreg:$0x2] =	wrdreg s24  }
0xaf: {  	[dreg:$0x3] =	wrdreg s2  }
0xb0: {  	[dreg:$0x4] =	wrdreg $0x9  }
0xb1: {  	_ =	task.clear_ibuf [dreg:s7], $0x5FFFF;
	_ =	strace $0x90000046  }
0xb2: {  	s29 =	simm.s32 $0x9;
	_ =	strace $0x80000048  }
0xb3: {  	_ =	swait.ge [sflag:s29], $0x1  }
0xb4: {  	[sflag:s29] =	ssyncadd.s32 $0xFFFFFFFF  }
0xb5: {  	_ =	strace $0x90000048  }
0xb6: {  	_ =	sfence  }
0xb7: {  	s30 =	sld [smem:$0x0];
	_ =	sdelay $0x2  }
0xb8: {  	s31 =	sshll.u32 s1, $0xD;
	s1 =	sshrl.u32 s1, $0x2  }
0xb9: {  	s3 =	sand.u32 $0x4000, s31;
	s1 =	sadd.s32 s1, s30  }
0xba: {  	s0 =	sor.u32 s3, s0;
	s1 =	sshll.u32 s1, $0x11  }
0xbb: {  	s0 =	sor.u32 s1, s0  }
0xbc: {  	s0 =	sadd.s32 $0x8F2B, s0  }
0xbd: {  	[sflag:s0] =	ssyncadd.remote.s32 $0x1  }
0xbe: {  	_ =	sfence.sel $0xFFFF  }
0xbf: {  	[dreg:$0x0] =	wrdreg $0xFFFFFFFF;
	(pc) =	sbr.abs _section_cstart, $3  }
0xc0: {  	[dreg:$0x1] =	wrdreg $0xFFFFFFFF  }
0xc1: {  	_ =	task.clear_ibuf [dreg:s7], $0x2FFFF;
	_ =	strace $0x9FFFFFFF  }
0xc2: {  	(tm) =	ssettm $0x7FFFFFFF  }
0xc3: {  	_ =	shalt  }
tec
execute0_lowered:
.L_overlay_start_1:
0x0: {  	(tag) =	ssettag $0x1  }
0x1: {  	s1 =	srdreg.scid  }
0x2: {  	s0 =	stileid.u32;
	s18 =	sand.u32 $0x1, s1  }
0x3: {  	s31 =	sshll.u32 s0, $0xA;
	s2 =	sshll.u32 s18, $0x9  }
0x4: {  	s5 =	rddreg [dreg:$0x0];
	s16 =	sor.u32 s2, s31  }
0x5: {  	s15 =	rddreg [dreg:$0x1];
	s2 =	simm.s32 $0x0;
	s3 =	sshrl.u32 s16, $0x3  }
0x6: {  	s4 =	simm.s32 $0x7;
	[smem:$0x7FF] =	sst s2;
	s3 =	sadd.s32 s3, s5  }
0x7: {  	s1 =	rddreg [dreg:$0x2];
	_ =	strace $0x80000047;
	s3 =	sadd.s32 $0x1A600, s3  }
0x8: {  	[tilespmem:s2], [sflag:$0x7] =	stream.linear.gather [hbm4b:s3+s2], $0x200, $0x38;
	[tilespmem:$0x10200] =	vst v63  }
0x9: {  	_ =	swait.ge [sflag:s4], $0x200  }
0xa: {  	s6 =	simm.s32 $0x80;
	[sflag:s4] =	ssyncset.done $0x0  }
0xb: {  	s7 =	simm.s32 $0x200;
	s5 =	sadd.s32 $0x600, s5;
	[sflag:s4] =	ssyncadd.s32 $0xFFFFFE00  }
0xc: {  	[tilespmem:s7], [sflag:$0x1] =	stream.indirect.gather [hbm4b:s5+s6], $0x80, s2, s6, $0xb8;
	[tilespmem:$0x10200] =	vst v63  }
0xd: {  	s8 =	simm.s32 $0x4200  }
0xe: {  	[tilespmem:s8], [sflag:$0x2] =	stream.indirect.gather [hbm4b:s5+s6], $0x80, s6, s6, $0xb8;
	[tilespmem:$0x10200] =	vst v63  }
0xf: {  	s9 =	simm.s32 $0x100;
	s10 =	simm.s32 $0x8200  }
0x10: {  	[tilespmem:s10], [sflag:$0x3] =	stream.indirect.gather [hbm4b:s5+s6], $0x80, s9, s6, $0xb8;
	[tilespmem:$0x10200] =	vst v63  }
0x11: {  	s11 =	simm.s32 $0x180;
	s12 =	simm.s32 $0xC200;
	s13 =	simm.s32 $0x1  }
0x12: {  	[tilespmem:s12], [sflag:$0x4] =	stream.indirect.gather [hbm4b:s5+s6], $0x80, s11, s6, $0xb8;
	[tilespmem:$0x10200] =	vst v63  }
0x13: {  	_ =	swait.ge [sflag:s13], $0x4000  }
0x14: {  	[sflag:s13] =	ssyncset.done $0x0  }
0x15: {  	s14 =	simm.s32 $0x2;
	[sflag:s13] =	ssyncadd.s32 $0xFFFFC000  }
0x16: {  	_ =	swait.ge [sflag:s14], $0x4000  }
0x17: {  	s16 =	sshll.u32 s16, $0x4;
	[sflag:s14] =	ssyncset.done $0x0  }
0x18: {  	s15 =	sadd.s32 s15, s16;
	s16 =	simm.s32 $0x3;
	[sflag:s14] =	ssyncadd.s32 $0xFFFFC000  }
0x19: {  	[hbm4b:s15+s2] =	stream.linear.scatter [tilespmem:s7], [sflag:$0x5], $0x8000, $0x38;
	[tilespmem:$0x10200] =	vst v63  }
0x1a: {  	_ =	swait.ge [sflag:s16], $0x4000  }
0x1b: {  	s20 =	ssub.s32 $0x2, s18;
	[sflag:s16] =	ssyncset.done $0x0  }
0x1c: {  	s17 =	simm.s32 $0x4;
	s21 =	sshrl.u32 s20, $0x1;
	[sflag:s16] =	ssyncadd.s32 $0xFFFFC000  }
0x1d: {  	s20 =	ssub.s32 s20, s21;
	_ =	swait.ge [sflag:s17], $0x4000  }
0x1e: {  	s19 =	simm.s32 $0x5;
	s21 =	smax.u32 s20, $0x1;
	[sflag:s17] =	ssyncset.done $0x0  }
0x1f: {  	s18 =	sadd.s32 $0x1000, s15;
	p0 =	sne.s32 s21, $0x1;
	[sflag:s17] =	ssyncadd.s32 $0xFFFFC000  }
0x20: {  	[hbm4b:s18+s2] =	stream.linear.scatter [tilespmem:s10], [sflag:$0x6], $0x8000, $0x38;
	[tilespmem:$0x10200] =	vst v63  }
.Ltmp0:
0x21: {  	_ =	swait.ge [sflag:s19], $0x8000;
	(pc) =	sbr.rel @!p0 .LBB2_2-.Ltmp0, $4  }
0x22: {  	[sflag:s19] =	ssyncset.done $0x0  }
0x23: {  	s20 =	simm.s32 $0x6;
	[sflag:s19] =	ssyncadd.s32 $0xFFFF8000  }
0x24: {  	_ =	swait.ge [sflag:s20], $0x8000  }
0x25: {  	s21 =	sadd.s32 $0xFFFFFFFF, s21;
	[sflag:s20] =	ssyncset.done $0x0  }
.LBB2_1:
0x26: {  	p0 =	sne.s32 s21, $0x1;
	s21 =	sadd.s32 $0xFFFFFFFF, s21;
	[sflag:s20] =	ssyncadd.s32 $0xFFFF8000  }
0x27: {  	[tilespmem:s2], [sflag:$0x7] =	stream.linear.gather [hbm4b:s3+s2], $0x200, $0x38;
	[tilespmem:$0x10200] =	vst v63  }
0x28: {  	_ =	swait.ge [sflag:s4], $0x200  }
0x29: {  	[sflag:s4] =	ssyncset.done $0x0  }
0x2a: {  	[sflag:s4] =	ssyncadd.s32 $0xFFFFFE00  }
0x2b: {  	[tilespmem:s7], [sflag:$0x1] =	stream.indirect.gather [hbm4b:s5+s6], $0x80, s2, s6, $0xb8;
	[tilespmem:$0x10200] =	vst v63  }
0x2c: {  	_ = 	snop  }
0x2d: {  	[tilespmem:s8], [sflag:$0x2] =	stream.indirect.gather [hbm4b:s5+s6], $0x80, s6, s6, $0xb8;
	[tilespmem:$0x10200] =	vst v63  }
0x2e: {  	_ = 	snop  }
0x2f: {  	[tilespmem:s10], [sflag:$0x3] =	stream.indirect.gather [hbm4b:s5+s6], $0x80, s9, s6, $0xb8;
	[tilespmem:$0x10200] =	vst v63  }
0x30: {  	_ = 	snop  }
0x31: {  	[tilespmem:s12], [sflag:$0x4] =	stream.indirect.gather [hbm4b:s5+s6], $0x80, s11, s6, $0xb8;
	[tilespmem:$0x10200] =	vst v63  }
0x32: {  	_ =	swait.ge [sflag:s13], $0x4000  }
0x33: {  	[sflag:s13] =	ssyncset.done $0x0  }
0x34: {  	[sflag:s13] =	ssyncadd.s32 $0xFFFFC000  }
0x35: {  	_ =	swait.ge [sflag:s14], $0x4000  }
0x36: {  	[sflag:s14] =	ssyncset.done $0x0  }
0x37: {  	[sflag:s14] =	ssyncadd.s32 $0xFFFFC000  }
0x38: {  	[hbm4b:s15+s2] =	stream.linear.scatter [tilespmem:s7], [sflag:$0x5], $0x8000, $0x38;
	[tilespmem:$0x10200] =	vst v63  }
0x39: {  	_ =	swait.ge [sflag:s16], $0x4000  }
0x3a: {  	[sflag:s16] =	ssyncset.done $0x0  }
0x3b: {  	[sflag:s16] =	ssyncadd.s32 $0xFFFFC000  }
0x3c: {  	_ =	swait.ge [sflag:s17], $0x4000  }
0x3d: {  	[sflag:s17] =	ssyncset.done $0x0  }
0x3e: {  	[sflag:s17] =	ssyncadd.s32 $0xFFFFC000  }
0x3f: {  	[hbm4b:s18+s2] =	stream.linear.scatter [tilespmem:s10], [sflag:$0x6], $0x8000, $0x38;
	[tilespmem:$0x10200] =	vst v63  }
.Ltmp1:
0x40: {  	_ =	swait.ge [sflag:s19], $0x8000;
	(pc) =	sbr.rel @p0 .LBB2_1-.Ltmp1, $4  }
0x41: {  	[sflag:s19] =	ssyncset.done $0x0  }
0x42: {  	[sflag:s19] =	ssyncadd.s32 $0xFFFF8000  }
0x43: {  	_ =	swait.ge [sflag:s20], $0x8000  }
0x44: {  	[sflag:s20] =	ssyncset.done $0x0  }
.LBB2_2:
0x45: {  	[sflag:s20] =	ssyncadd.s32 $0xFFFF8000  }
0x46: {  	_ =	sfence.sel $0x180000  }
0x47: {  	[bflag:$0x0] =	sbarrier.arrive $0xFFFF  }
0x48: {  	p0 =	sne.s32 s0, $0x0;
	_ =	strace $0x90000047  }
0x49: {  	s0 =	sadd.s32 @!p0 $0x100000, s1;
	[bflag:$0x2] =	sbarrier.arrive $0xFFFF  }
0x4a: {  	[sflag:s0] =	ssyncadd.tile.s32 @!p0 $0x1;
	_ =	shalt  }
.Lfunc_end2:
_tile_overlayer_lowered:
.L_overlay_start_2:
0x4b: {  	(tag) =	ssettag $0x2  }
0x4c: {  	s0 =	rddreg [dreg:$0x0];
	s2 =	stileid.u32  }
0x4d: {  	s1 =	rddreg [dreg:$0x1];
	p0 =	sne.s32 s2, $0x0  }
0x4e: {  	s3 =	rddreg [dreg:$0x2];
	[bflag:$0x3] =	sbarrier.arrive $0xFFFF;
	s2 =	simm.s32 @!p0 $0x1C07  }
0x4f: {  	[timem:s3], [sflag:s2] =	dma.local @!p0 [hbm:s0], s1  }
0x50: {  	s0 =	simm.s32 @!p0 $0x7  }
0x51: {  	_ =	swait.ge @!p0 [sflag:s0], s1  }
0x52: {  	s1 =	ssub.s32 @!p0 $0x0, s1;
	[sflag:s0] =	ssyncset.done @!p0 $0x0  }
0x53: {  	[sflag:s0] =	ssyncadd.s32 @!p0 s1  }
0x54: {  	[bflag:$0x3] =	sbarrier.arrive $0xFFFF  }
0x55: {  	_ =	shalt  }

</sc_bundles>
